<compile_context>
chip_gen: v7x
topology: tpu7x:2x2x1
jax: 0.10.2.dev20260603
libtpu: 0.0.44.dev20260713+nightly
codegen_flags: <defaults>
</compile_context>

<pallas_src>
import functools

import jax
import jax.numpy as jnp
from jax import lax
from jax.experimental import pallas as pl
from jax.experimental.pallas import tpu as pltpu
from jax.experimental.pallas import tpu_sc as plsc

B = 1024
D = 16
BN = 2560


def _make_sc_gather_t(V):
    info = plsc.get_sparse_core_info()
    NC = info.num_cores
    rows_per_core = D // NC

    mesh = plsc.VectorSubcoreMesh(core_axis_name="c", subcore_axis_name="s")

    @functools.partial(
        pl.kernel,
        mesh=mesh,
        out_type=jax.ShapeDtypeStruct((D, B), jnp.float32),
        scratch_types=[
            pltpu.VMEM((V,), jnp.float32),
            pltpu.VMEM((B,), jnp.int32),
            pltpu.VMEM((B,), jnp.float32),
        ],
        compiler_params=pltpu.CompilerParams(needs_layout_passes=False),
    )
    def gather(table_hbm, idx_hbm, out_hbm, row_v, idx_v, vals_v):
        c = lax.axis_index("c")
        s = lax.axis_index("s")

        @pl.when(s < rows_per_core)
        def _():
            r = c * rows_per_core + s
            pltpu.sync_copy(table_hbm.at[r], row_v)
            pltpu.sync_copy(idx_hbm, idx_v)

            def body(i, carry):
                ids = idx_v[pl.ds(i * 16, 16)]
                vals_v[pl.ds(i * 16, 16)] = plsc.load_gather(row_v, [ids])
                return carry

            lax.fori_loop(0, B // 16, body, 0, unroll=4)
            pltpu.sync_copy(vals_v, out_hbm.at[r])

    return gather


def _proj_t_block(w_ref, b_ref, emb_ref, out_ref):
    w_aug = jnp.concatenate([w_ref[...], b_ref[...]], axis=0)
    ones = jnp.ones((1, B), jnp.float32)
    emb_aug = jnp.concatenate([emb_ref[...], ones], axis=0)
    out_ref[...] = lax.dot_general(
        w_aug,
        emb_aug,
        dimension_numbers=(((0,), (0,)), ((), ())),
        preferred_element_type=jnp.float32,
    )


def kernel(target_word, emb_table, lin_w, lin_b):
    V = emb_table.shape[0]
    idx = target_word.astype(jnp.int32)

    table_t = emb_table.T
    emb_t = _make_sc_gather_t(V)(table_t, idx)

    w_t = lin_w.T
    grid = pl.cdiv(V, BN)
    out_t = pl.pallas_call(
        _proj_t_block,
        grid=(grid,),
        in_specs=[
            pl.BlockSpec((D, BN), lambda j: (0, j)),
            pl.BlockSpec((1, BN), lambda j: (0, j)),
            pl.BlockSpec((D, B), lambda j: (0, 0)),
        ],
        out_specs=pl.BlockSpec((BN, B), lambda j: (j, 0)),
        out_shape=jax.ShapeDtypeStruct((V, B), jnp.float32),
    )(w_t, lin_b.reshape(1, V), emb_t)
    return out_t.T

# --- scband reference (transcript-rebuilt; emitter-appended) ---
"""Pipeline reference for scband-skip-gram-model-59055800320836 (READ-ONLY COPY).

The authoritative reference and input builder live on the scoring server;
editing this copy changes nothing except your own understanding.
"""

import jax, jax.numpy as jnp
import numpy as np

VOCAB = 100000
EMBED_DIM = 16
BATCH = 1024

def setup_inputs(seed: int = 0) -> dict:
    key = jax.random.key(seed)
    k1, k2, k3, k4 = jax.random.split(key, 4)
    target_word = jax.random.randint(k1, (BATCH,), 0, VOCAB, dtype=jnp.int64 if jax.config.jax_enable_x64 else jnp.int32)
    emb_table = jax.random.normal(k2, (VOCAB, EMBED_DIM), dtype=jnp.float32) * 0.02
    lin_w = jax.random.normal(k3, (VOCAB, EMBED_DIM), dtype=jnp.float32) * (1.0 / np.sqrt(EMBED_DIM))
    lin_b = jax.random.normal(k4, (VOCAB,), dtype=jnp.float32) * 0.01
    return {"target_word": target_word, "emb_table": emb_table, "lin_w": lin_w, "lin_b": lin_b}

def reference(target_word, emb_table, lin_w, lin_b):
    # embedding lookup (gather)
    embedded = jnp.take(emb_table, target_word, axis=0)  # [B, D]
    # linear: x @ W^T + b  (torch nn.Linear convention)
    predicted = embedded @ lin_w.T + lin_b  # [B, V]
    return predicted

if __name__ == "__main__":
    import jax
    _d = setup_inputs()
    print(jax.jit(kernel)(*tuple(_d.values())))

</pallas_src>

<mosaic_0001>
#map = affine_map<(d0, d1) -> (0, 0)>
#map1 = affine_map<(d0, d1) -> (0)>
module attributes {stable_mosaic.version = 14 : i64} {
  func.func @gather(%arg0: i32, %arg1: i32, %arg2: memref<16x100000xf32, #tpu.memory_space<hbm>>, %arg3: memref<1024xi32, #tpu.memory_space<hbm>>, %arg4: memref<16x1024xf32, #tpu.memory_space<hbm>>, %arg5: memref<100000xf32, #tpu.memory_space<vmem>>, %arg6: memref<1024xi32, #tpu.memory_space<vmem>>, %arg7: memref<1024xf32, #tpu.memory_space<vmem>>) attributes {dimension_semantics = [#tpu.dimension_semantics<core_parallel>, #tpu.dimension_semantics<subcore_parallel>], iteration_bounds = array<i64: 2, 16>, scalar_prefetch = 0 : i64, scratch_operands = 3 : i64, tpu.core_type = #tpu.core_type<sc_vector_subcore>, window_params = [{transform_indices = #map}, {transform_indices = #map1}, {transform_indices = #map}]} {
    %lt3A = arith.constant 8 : i32
    %lt3A_0 = arith.cmpi slt, %arg1, %lt3A : i32
    %convert_element_type3A = arith.extui %lt3A_0 : i1 to i32
    %cond3A = arith.constant 0 : i32
    %cond3A_1 = arith.cmpi ne, %convert_element_type3A, %cond3A : i32
    scf.if %cond3A_1 {
      %mul3A = arith.constant 8 : i32
      %mul3A_2 = arith.muli %arg0, %mul3A : i32
      %add3A = arith.addi %mul3A_2, %arg1 : i32
      "tpu.region"() ({
        %run_scoped3A = tpu.sem_alloc : memref<!tpu.dma_semaphore, #tpu.memory_space<semaphore_mem>>
        %dma_start3A = arith.constant 0 : i32
        %dma_start3A_8 = tpu.memref_slice %arg2[%add3A, %dma_start3A] : memref<16x100000xf32, #tpu.memory_space<hbm>> -> memref<1x100000xf32, #tpu.memory_space<hbm>>
        %dma_start3A_9 = tpu.memref_squeeze %dma_start3A_8 : memref<1x100000xf32, #tpu.memory_space<hbm>> -> memref<100000xf32, #tpu.memory_space<hbm>>
        %dma_start3A_10 = arith.constant 0 : i32
        %dma_start3A_11 = tpu.memref_slice %arg2[%add3A, %dma_start3A_10] : memref<16x100000xf32, #tpu.memory_space<hbm>> -> memref<1x100000xf32, #tpu.memory_space<hbm>>
        %dma_start3A_12 = tpu.memref_squeeze %dma_start3A_11 : memref<1x100000xf32, #tpu.memory_space<hbm>> -> memref<100000xf32, #tpu.memory_space<hbm>>
        tpu.enqueue_dma source(%dma_start3A_12 : memref<100000xf32, #tpu.memory_space<hbm>>) target(%arg5 : memref<100000xf32, #tpu.memory_space<vmem>>) target_semaphore(%run_scoped3A : memref<!tpu.dma_semaphore, #tpu.memory_space<semaphore_mem>>)
        %dma_wait3A = arith.constant 0 : i32
        %dma_wait3A_13 = tpu.memref_slice %arg2[%add3A, %dma_wait3A] : memref<16x100000xf32, #tpu.memory_space<hbm>> -> memref<1x100000xf32, #tpu.memory_space<hbm>>
        %dma_wait3A_14 = tpu.memref_squeeze %dma_wait3A_13 : memref<1x100000xf32, #tpu.memory_space<hbm>> -> memref<100000xf32, #tpu.memory_space<hbm>>
        %dma_wait3A_15 = arith.constant 0 : i32
        %dma_wait3A_16 = tpu.memref_slice %arg2[%add3A, %dma_wait3A_15] : memref<16x100000xf32, #tpu.memory_space<hbm>> -> memref<1x100000xf32, #tpu.memory_space<hbm>>
        %dma_wait3A_17 = tpu.memref_squeeze %dma_wait3A_16 : memref<1x100000xf32, #tpu.memory_space<hbm>> -> memref<100000xf32, #tpu.memory_space<hbm>>
        tpu.wait_dma2 semaphore(%run_scoped3A : memref<!tpu.dma_semaphore, #tpu.memory_space<semaphore_mem>>) src(%dma_wait3A_17 : memref<100000xf32, #tpu.memory_space<hbm>>) dst(%arg5 : memref<100000xf32, #tpu.memory_space<vmem>>)
        tpu.yield
      }) : () -> ()
      "tpu.region"() ({
        %run_scoped3A = tpu.sem_alloc : memref<!tpu.dma_semaphore, #tpu.memory_space<semaphore_mem>>
        tpu.enqueue_dma source(%arg3 : memref<1024xi32, #tpu.memory_space<hbm>>) target(%arg6 : memref<1024xi32, #tpu.memory_space<vmem>>) target_semaphore(%run_scoped3A : memref<!tpu.dma_semaphore, #tpu.memory_space<semaphore_mem>>)
        tpu.wait_dma2 semaphore(%run_scoped3A : memref<!tpu.dma_semaphore, #tpu.memory_space<semaphore_mem>>) src(%arg3 : memref<1024xi32, #tpu.memory_space<hbm>>) dst(%arg6 : memref<1024xi32, #tpu.memory_space<vmem>>)
        tpu.yield
      }) : () -> ()
      %scan3A = arith.constant 0 : i32
      %scan3A_3 = arith.constant 0 : i32
      %scan3A_4 = arith.constant 64 : i32
      %scan3A_5 = arith.addi %scan3A_3, %scan3A_4 : i32
      %scan3A_6 = arith.constant 4 : i32
      scf.for %scan3A_8 = %scan3A_3 to %scan3A_5 step %scan3A_6  : i32 {
        %mul3A_9 = arith.constant 16 : i32
        %mul3A_10 = arith.muli %scan3A_8, %mul3A_9 : i32
        %get3A = arith.index_cast %mul3A_10 : i32 to index
        %get3A_11 = tpu.vector_load %arg6[%get3A] {strides = array<i32>} : memref<1024xi32, #tpu.memory_space<vmem>>, vector<16xi32>,
        %gather3A = tpu.vector_load_idx %arg5[%get3A_11] : memref<100000xf32, #tpu.memory_space<vmem>>[vector<16xi32>], vector<16xf32>,
        %mul3A_12 = arith.constant 16 : i32
        %mul3A_13 = arith.muli %scan3A_8, %mul3A_12 : i32
        %swap3A = arith.index_cast %mul3A_13 : i32 to index
        %swap3A_14 = tpu.vector_load %arg7[%swap3A] {strides = array<i32>} : memref<1024xf32, #tpu.memory_space<vmem>>, vector<16xf32>,
        tpu.vector_store %arg7[%swap3A], %gather3A {strides = array<i32>} : memref<1024xf32, #tpu.memory_space<vmem>>, vector<16xf32>,
        %scan3A_15 = arith.constant 1 : i32
        %scan3A_16 = arith.addi %scan3A_8, %scan3A_15 : i32
        %mul3A_17 = arith.constant 16 : i32
        %mul3A_18 = arith.muli %scan3A_16, %mul3A_17 : i32
        %get3A_19 = arith.index_cast %mul3A_18 : i32 to index
        %get3A_20 = tpu.vector_load %arg6[%get3A_19] {strides = array<i32>} : memref<1024xi32, #tpu.memory_space<vmem>>, vector<16xi32>,
        %gather3A_21 = tpu.vector_load_idx %arg5[%get3A_20] : memref<100000xf32, #tpu.memory_space<vmem>>[vector<16xi32>], vector<16xf32>,
        %mul3A_22 = arith.constant 16 : i32
        %mul3A_23 = arith.muli %scan3A_16, %mul3A_22 : i32
        %swap3A_24 = arith.index_cast %mul3A_23 : i32 to index
        %swap3A_25 = tpu.vector_load %arg7[%swap3A_24] {strides = array<i32>} : memref<1024xf32, #tpu.memory_space<vmem>>, vector<16xf32>,
        tpu.vector_store %arg7[%swap3A_24], %gather3A_21 {strides = array<i32>} : memref<1024xf32, #tpu.memory_space<vmem>>, vector<16xf32>,
        %scan3A_26 = arith.constant 2 : i32
        %scan3A_27 = arith.addi %scan3A_8, %scan3A_26 : i32
        %mul3A_28 = arith.constant 16 : i32
        %mul3A_29 = arith.muli %scan3A_27, %mul3A_28 : i32
        %get3A_30 = arith.index_cast %mul3A_29 : i32 to index
        %get3A_31 = tpu.vector_load %arg6[%get3A_30] {strides = array<i32>} : memref<1024xi32, #tpu.memory_space<vmem>>, vector<16xi32>,
        %gather3A_32 = tpu.vector_load_idx %arg5[%get3A_31] : memref<100000xf32, #tpu.memory_space<vmem>>[vector<16xi32>], vector<16xf32>,
        %mul3A_33 = arith.constant 16 : i32
        %mul3A_34 = arith.muli %scan3A_27, %mul3A_33 : i32
        %swap3A_35 = arith.index_cast %mul3A_34 : i32 to index
        %swap3A_36 = tpu.vector_load %arg7[%swap3A_35] {strides = array<i32>} : memref<1024xf32, #tpu.memory_space<vmem>>, vector<16xf32>,
        tpu.vector_store %arg7[%swap3A_35], %gather3A_32 {strides = array<i32>} : memref<1024xf32, #tpu.memory_space<vmem>>, vector<16xf32>,
        %scan3A_37 = arith.constant 3 : i32
        %scan3A_38 = arith.addi %scan3A_8, %scan3A_37 : i32
        %mul3A_39 = arith.constant 16 : i32
        %mul3A_40 = arith.muli %scan3A_38, %mul3A_39 : i32
        %get3A_41 = arith.index_cast %mul3A_40 : i32 to index
        %get3A_42 = tpu.vector_load %arg6[%get3A_41] {strides = array<i32>} : memref<1024xi32, #tpu.memory_space<vmem>>, vector<16xi32>,
        %gather3A_43 = tpu.vector_load_idx %arg5[%get3A_42] : memref<100000xf32, #tpu.memory_space<vmem>>[vector<16xi32>], vector<16xf32>,
        %mul3A_44 = arith.constant 16 : i32
        %mul3A_45 = arith.muli %scan3A_38, %mul3A_44 : i32
        %swap3A_46 = arith.index_cast %mul3A_45 : i32 to index
        %swap3A_47 = tpu.vector_load %arg7[%swap3A_46] {strides = array<i32>} : memref<1024xf32, #tpu.memory_space<vmem>>, vector<16xf32>,
        tpu.vector_store %arg7[%swap3A_46], %gather3A_43 {strides = array<i32>} : memref<1024xf32, #tpu.memory_space<vmem>>, vector<16xf32>,
      }
      %scan3A_7 = arith.constant 64 : i32
      "tpu.region"() ({
        %run_scoped3A = tpu.sem_alloc : memref<!tpu.dma_semaphore, #tpu.memory_space<semaphore_mem>>
        %dma_start3A = arith.constant 0 : i32
        %dma_start3A_8 = tpu.memref_slice %arg4[%add3A, %dma_start3A] : memref<16x1024xf32, #tpu.memory_space<hbm>> -> memref<1x1024xf32, #tpu.memory_space<hbm>>
        %dma_start3A_9 = tpu.memref_squeeze %dma_start3A_8 : memref<1x1024xf32, #tpu.memory_space<hbm>> -> memref<1024xf32, #tpu.memory_space<hbm>>
        %dma_start3A_10 = arith.constant 0 : i32
        %dma_start3A_11 = tpu.memref_slice %arg4[%add3A, %dma_start3A_10] : memref<16x1024xf32, #tpu.memory_space<hbm>> -> memref<1x1024xf32, #tpu.memory_space<hbm>>
        %dma_start3A_12 = tpu.memref_squeeze %dma_start3A_11 : memref<1x1024xf32, #tpu.memory_space<hbm>> -> memref<1024xf32, #tpu.memory_space<hbm>>
        tpu.enqueue_dma source(%arg7 : memref<1024xf32, #tpu.memory_space<vmem>>) target(%dma_start3A_12 : memref<1024xf32, #tpu.memory_space<hbm>>) target_semaphore(%run_scoped3A : memref<!tpu.dma_semaphore, #tpu.memory_space<semaphore_mem>>)
        %dma_wait3A = arith.constant 0 : i32
        %dma_wait3A_13 = tpu.memref_slice %arg4[%add3A, %dma_wait3A] : memref<16x1024xf32, #tpu.memory_space<hbm>> -> memref<1x1024xf32, #tpu.memory_space<hbm>>
        %dma_wait3A_14 = tpu.memref_squeeze %dma_wait3A_13 : memref<1x1024xf32, #tpu.memory_space<hbm>> -> memref<1024xf32, #tpu.memory_space<hbm>>
        %dma_wait3A_15 = arith.constant 0 : i32
        %dma_wait3A_16 = tpu.memref_slice %arg4[%add3A, %dma_wait3A_15] : memref<16x1024xf32, #tpu.memory_space<hbm>> -> memref<1x1024xf32, #tpu.memory_space<hbm>>
        %dma_wait3A_17 = tpu.memref_squeeze %dma_wait3A_16 : memref<1x1024xf32, #tpu.memory_space<hbm>> -> memref<1024xf32, #tpu.memory_space<hbm>>
        tpu.wait_dma2 semaphore(%run_scoped3A : memref<!tpu.dma_semaphore, #tpu.memory_space<semaphore_mem>>) src(%arg7 : memref<1024xf32, #tpu.memory_space<vmem>>) dst(%dma_wait3A_17 : memref<1024xf32, #tpu.memory_space<hbm>>)
        tpu.yield
      }) : () -> ()
    } else {
    }
    return
  }
}

module attributes {stable_mosaic.version = 14 : i64} {
  func.func @_proj_t_block(%arg0: i32, %arg1: memref<16x2560xf32, #tpu.memory_space<vmem>>, %arg2: memref<1x2560xf32, #tpu.memory_space<vmem>>, %arg3: memref<16x1024xf32, #tpu.memory_space<vmem>>, %arg4: memref<2560x1024xf32, #tpu.memory_space<vmem>>) attributes {dimension_semantics = [#tpu.dimension_semantics<arbitrary>], iteration_bounds = array<i64: 40>, scalar_prefetch = 0 : i64, scratch_operands = 0 : i64, tpu.core_type = #tpu.core_type<tc>, window_params = [{transform_indices = @transform_0, window_bounds = array<i64: 16, 2560>}, {transform_indices = @transform_1, window_bounds = array<i64: 1, 2560>}, {pipeline_mode = #tpu.pipeline_mode<synchronous>, transform_indices = @transform_2, window_bounds = array<i64: 16, 1024>}, {transform_indices = @transform_3, window_bounds = array<i64: 2560, 1024>}]} {
    %get3A = arith.constant 0 : index
    %get3A_0 = arith.constant 0 : index
    %get3A_1 = vector.load %arg1[%get3A, %get3A_0] : memref<16x2560xf32, #tpu.memory_space<vmem>>, vector<16x2560xf32>
    %get3A_2 = arith.constant 0 : index
    %get3A_3 = arith.constant 0 : index
    %get3A_4 = vector.load %arg2[%get3A_2, %get3A_3] : memref<1x2560xf32, #tpu.memory_space<vmem>>, vector<1x2560xf32>
    %concatenate3A = tpu.concatenate %get3A_1, %get3A_4 in 0 : vector<16x2560xf32>, vector<1x2560xf32> -> vector<17x2560xf32>
    %broadcast_in_dim3A = arith.constant 1.000000e+00 : f32
    %broadcast_in_dim3A_5 = vector.broadcast %broadcast_in_dim3A : f32 to vector<1x1024xf32>
    %get3A_6 = arith.constant 0 : index
    %get3A_7 = arith.constant 0 : index
    %get3A_8 = vector.load %arg3[%get3A_6, %get3A_7] : memref<16x1024xf32, #tpu.memory_space<vmem>>, vector<16x1024xf32>
    %concatenate3A_9 = tpu.concatenate %get3A_8, %broadcast_in_dim3A_5 in 0 : vector<16x1024xf32>, vector<1x1024xf32> -> vector<17x1024xf32>
    %dot_general3A = arith.constant dense<0.000000e+00> : vector<2560x1024xf32>
    %dot_general3A_10 = tpu.matmul %concatenate3A, %concatenate3A_9, %dot_general3A {dimension_numbers = #tpu.dot_dimension_numbers<[0], [0], [1], [1], [0, 1, 1, 1], [], []>, transpose_lhs_hint = false} : vector<17x2560xf32>, vector<17x1024xf32>, vector<2560x1024xf32> -> vector<2560x1024xf32>
    %swap3A = arith.constant 0 : index
    %swap3A_11 = arith.constant 0 : index
    %swap3A_12 = vector.load %arg4[%swap3A, %swap3A_11] : memref<2560x1024xf32, #tpu.memory_space<vmem>>, vector<2560x1024xf32>
    tpu.vector_store %arg4[%swap3A, %swap3A_11], %dot_general3A_10 {strides = array<i32>} : memref<2560x1024xf32, #tpu.memory_space<vmem>>, vector<2560x1024xf32>,
    return
  }
  func.func @transform_0(%arg0: i32) -> (i32, i32) {
    %c0_i32 = arith.constant 0 : i32
    %c0_i32_0 = arith.constant 0 : i32
    return %c0_i32, %arg0 : i32, i32
  }
  func.func @transform_1(%arg0: i32) -> (i32, i32) {
    %c0_i32 = arith.constant 0 : i32
    %c0_i32_0 = arith.constant 0 : i32
    return %c0_i32, %arg0 : i32, i32
  }
  func.func @transform_2(%arg0: i32) -> (i32, i32) {
    %c0_i32 = arith.constant 0 : i32
    %c0_i32_0 = arith.constant 0 : i32
    %c0_i32_1 = arith.constant 0 : i32
    return %c0_i32, %c0_i32_0 : i32, i32
  }
  func.func @transform_3(%arg0: i32) -> (i32, i32) {
    %c0_i32 = arith.constant 0 : i32
    %c0_i32_0 = arith.constant 0 : i32
    return %arg0, %c0_i32 : i32, i32
  }
}

</mosaic_0001>

<sc_bundles>
// kernel: kernel.4.cloned.1.call-start
scs
__scs_entry_jumppad:
0x0: {  	(pc) =	sbr.rel $0x88, $3  }
0x1: {  	(tag) =	ssettag $0x0;
	lr =	simm.s32 $0x1  }
0x2: {  	[smem:$0x3F9D] =	sst lr;
	_ =	strace $0xD0000000  }
0x3: {  	_ = 	snop  }
0x4: {  	_ = 	snop  }
0x5: {  	_ = 	snop  }
0x6: {  	_ = 	snop  }
0x7: {  	_ = 	snop  }
__scs_overlays_trampoline_lowered:
0x8: {  	[smem:$0x3FAC] =	sst s0  }
0x9: {  	[smem:$0x3FAD] =	sst s1  }
0xa: {  	[smem:$0x3FAE] =	sst s2  }
0xb: {  	[smem:$0x3FAF] =	sst s3  }
0xc: {  	[smem:$0x3FB0] =	sst s4  }
0xd: {  	[smem:$0x3FB1] =	sst s5  }
0xe: {  	[smem:$0x3FB2] =	sst s6  }
0xf: {  	[smem:$0x3FB3] =	sst s7  }
0x10: {  	[smem:$0x3FB4] =	sst s8  }
0x11: {  	[smem:$0x3FB5] =	sst s9;
	s0 =	simm.s32 @!p0 $0x0  }
0x12: {  	s1 =	sld [smem:$0x3F9B];
	s0 =	simm.s32 @p0 $0x1  }
0x13: {  	[smem:$0x3FB6] =	sst s0;
	s0 =	simm.s32 @!p1 $0x0  }
0x14: {  	s2 =	sld [smem:$0x3F9A];
	s0 =	simm.s32 @p1 $0x1  }
0x15: {  	[smem:$0x3FB7] =	sst s0;
	s0 =	simm.s32 @!p2 $0x0  }
0x16: {  	s3 =	sld [smem:$0x3FDB];
	s0 =	simm.s32 @p2 $0x1  }
0x17: {  	s4 =	simm.s32 $0x1BF5;
	[smem:$0x3FB9] =	sst s0  }
0x18: {  	s0 =	sld [smem:$0x3F9C];
	_ =	swait.ge [sflag:s4], $0x0  }
0x19: {  	s7 =	sld [smem:$0x3F9D]  }
0x1a: {  	s8 =	sadd.s32 $0xFFFFE003, lr  }
0x1b: {  	s9 =	sadd.s32 $0xFFFFFEF7, lr;
	s5 =	simm.s32 $0xFFFFFFFF;
	p2 =	slt.u32 s8, $0xFFFFF086  }
0x1c: {  	p1 =	slt.u32 s9, $0xF7A;
	s5 =	simm.s32 @!p2 $0x0  }
0x1d: {  	s5 =	simm.s32 @p1 $0x1;
	p0 =	seq.s32 s7, s2  }
0x1e: {  	s7 =	smul.u32 @!p0 $0xF7A, s2;
	p2 =	seq.s32 @!p0 s5, $0x0  }
0x1f: {  	s9 =	smul.u32 $0xF7A, s1;
	s8 =	simm.s32 @!p0 $0x1BF5;
	p2 =	por !p2, p0  }
0x20: {  	[sflag:s8] =	ssyncset.s32 @!p0 $0xFFFFF086;
	s6 =	sadd.s32 @!p0 s3, s7;
	s7 =	simm.s32 @!p0 $0x108  }
0x21: {  	s3 =	sadd.s32 s3, s9;
	s6 =	sadd.s32 @!p0 $0x88, s6;
	s7 =	simm.s32 @p2 $0x1082  }
0x22: {  	[simem:s7], [sflag:s8] =	dma.local @!p0 [hbm:s6], $0xF7A  }
0x23: {  	s9 =	sor.u32 $0xD0000000, s2;
	s6 =	simm.s32 $0x108;
	_ =	swait.ge @!p0 [sflag:s8], $0x0  }
0x24: {  	s3 =	sadd.s32 $0x88, s3;
	s6 =	simm.s32 @!p1 $0x1082;
	[sflag:s4] =	ssyncset.s32 $0xFFFFF086  }
0x25: {  	[simem:s6], [sflag:s4] =	dma.local [hbm:s3], $0xF7A  }
0x26: {  	[smem:$0x3F9D] =	sst s1;
	(tag) =	ssettag s2;
	_ =	strace s9  }
0x27: {  	s1 =	sld [smem:$0x3FAD]  }
0x28: {  	s2 =	sld [smem:$0x3FAE]  }
0x29: {  	s4 =	sld [smem:$0x3FB0]  }
0x2a: {  	p0 =	seq.s32 s5, $0x0;
	s5 =	sld [smem:$0x3FB1]  }
0x2b: {  	s6 =	sld [smem:$0x3FB2]  }
0x2c: {  	s7 =	sld [smem:$0x3FB3]  }
0x2d: {  	s3 =	simm.s32 $0x108;
	s8 =	sld [smem:$0x3FB4]  }
0x2e: {  	s3 =	simm.s32 @!p0 $0x1082;
	s9 =	sld [smem:$0x3FB5]  }
0x2f: {  	lr =	sadd.s32 s0, s3;
	s0 =	sld [smem:$0x3FAC]  }
0x30: {  	s3 =	sld [smem:$0x3FAF]  }
0x31: {  	[smem:$0x3FB8] =	sst s10  }
0x32: {  	s10 =	sld [smem:$0x3FB6];
	_ =	sdelay $0x3  }
0x33: {  	p0 =	seq.s32 s10, $0x1;
	s10 =	sld [smem:$0x3FB8];
	_ =	sdelay $0x3  }
0x34: {  	[smem:$0x3FB8] =	sst s10  }
0x35: {  	s10 =	sld [smem:$0x3FB7];
	_ =	sdelay $0x3  }
0x36: {  	p1 =	seq.s32 s10, $0x1;
	s10 =	sld [smem:$0x3FB8];
	_ =	sdelay $0x3  }
0x37: {  	[smem:$0x3FB8] =	sst s10  }
0x38: {  	s10 =	sld [smem:$0x3FB9]  }
0x39: {  	_ = 	snop;
	(pc) =	sbr.ind lr, $3  }
0x3a: {  	_ = 	snop  }
0x3b: {  	_ = 	snop  }
0x3c: {  	p2 =	seq.s32 s10, $0x1;
	s10 =	sld [smem:$0x3FB8]  }
0x3d: {  	_ =	shalt  }
0x3e: {  	_ =	shalt  }
0x3f: {  	_ =	shalt  }
0x40: {  	_ =	shalt  }
0x41: {  	_ =	shalt  }
0x42: {  	_ =	shalt  }
0x43: {  	_ =	shalt  }
0x44: {  	_ =	shalt  }
0x45: {  	_ =	shalt  }
0x46: {  	_ =	shalt  }
0x47: {  	_ =	shalt  }
0x48: {  	_ =	shalt  }
0x49: {  	_ =	shalt  }
0x4a: {  	_ =	shalt  }
0x4b: {  	_ =	shalt  }
0x4c: {  	_ =	shalt  }
0x4d: {  	_ =	shalt  }
0x4e: {  	_ =	shalt  }
0x4f: {  	_ =	shalt  }
0x50: {  	_ =	shalt  }
0x51: {  	_ =	shalt  }
0x52: {  	_ =	shalt  }
0x53: {  	_ =	shalt  }
0x54: {  	_ =	shalt  }
0x55: {  	_ =	shalt  }
0x56: {  	_ =	shalt  }
0x57: {  	_ =	shalt  }
0x58: {  	_ =	shalt  }
0x59: {  	_ =	shalt  }
0x5a: {  	_ =	shalt  }
0x5b: {  	_ =	shalt  }
0x5c: {  	_ =	shalt  }
0x5d: {  	_ =	shalt  }
0x5e: {  	_ =	shalt  }
0x5f: {  	_ =	shalt  }
0x60: {  	_ =	shalt  }
0x61: {  	_ =	shalt  }
0x62: {  	_ =	shalt  }
0x63: {  	_ =	shalt  }
0x64: {  	_ =	shalt  }
0x65: {  	_ =	shalt  }
0x66: {  	_ =	shalt  }
0x67: {  	_ =	shalt  }
0x68: {  	_ =	shalt  }
0x69: {  	_ =	shalt  }
0x6a: {  	_ =	shalt  }
0x6b: {  	_ =	shalt  }
0x6c: {  	_ =	shalt  }
0x6d: {  	_ =	shalt  }
0x6e: {  	_ =	shalt  }
0x6f: {  	_ =	shalt  }
0x70: {  	_ =	shalt  }
0x71: {  	_ =	shalt  }
0x72: {  	_ =	shalt  }
0x73: {  	_ =	shalt  }
0x74: {  	_ =	shalt  }
0x75: {  	_ =	shalt  }
0x76: {  	_ =	shalt  }
0x77: {  	_ =	shalt  }
0x78: {  	_ =	shalt  }
0x79: {  	_ =	shalt  }
0x7a: {  	_ =	shalt  }
0x7b: {  	_ =	shalt  }
0x7c: {  	_ =	shalt  }
0x7d: {  	_ =	shalt  }
0x7e: {  	_ =	shalt  }
0x7f: {  	_ =	shalt  }
0x80: {  	_ =	shalt  }
0x81: {  	_ =	shalt  }
0x82: {  	_ =	shalt  }
0x83: {  	_ =	shalt  }
0x84: {  	_ =	shalt  }
0x85: {  	_ =	shalt  }
0x86: {  	_ =	shalt  }
0x87: {  	_ =	shalt  }
.Lfunc_end0:
.L_simem_size_0:
called_computation_lowered:
.L_overlay_start_0:
0x88: {  	s2 =	sld [smem:$0x3FD9]  }
0x89: {  	s3 =	sld [smem:$0x3FFE];
	_ =	sdelay $0x1  }
0x8a: {  	s1 =	srdreg.scid  }
0x8b: {  	s0 =	sand.u32 $0x1, s1  }
0x8c: {  	s18 =	sshll.u32 s0, $0xA;
	s2 =	sadd.s32 s3, s2  }
0x8d: {  	s2 =	sadd.s32 s2, s18  }
0x8e: {  	[smem:$0x3FC4] =	sst s2  }
0x8f: {  	_ = 	snop  }
0x90: {  	s2 =	sld [smem:$0x3FC9]  }
0x91: {  	s19 =	sld [smem:$0x3FC8]  }
0x92: {  	s4 =	sld [smem:$0x3FD0];
	(tm) =	ssettm $0x1  }
0x93: {  	s5 =	sld [smem:$0x3FFB];
	_ =	sdelay $0x3  }
0x94: {  	_ =	strace s5  }
0x95: {  	s5 =	sld [smem:$0x3FFC];
	_ =	sdelay $0x3  }
0x96: {  	_ =	strace s5  }
0x97: {  	s5 =	sld [smem:$0x3FFD];
	_ =	sdelay $0x3  }
0x98: {  	_ =	strace s5  }
0x99: {  	_ =	strace $0x8FFFFFFF  }
0x9a: {  	s20 =	sld [smem:$0x3FDB];
	_ =	sdelay $0x1  }
0x9b: {  	s6 =	simm.s32 $_scs_section_size  }
0x9c: {  	s7 =	simm.s32 $_size__tile_overlayer_lowered;
	s8 =	simm.s32 $_tile_overlayer_lowered  }
0x9d: {  	s23 =	simm.s32 $0x1BFF;
	s22 =	sshll.u32 s8, $0x1;
	s5 =	sadd.s32 s6, s20  }
0x9e: {  	s9 =	simm.s32 $0x0;
	s21 =	sshll.u32 s7, $0x1;
	s7 =	sadd.s32 s22, s5  }
0x9f: {  	[timem:s9], [sflag:s23] =	dma.local [hbm:s7], s21  }
0xa0: {  	_ =	swait.ge [sflag:s23], s21  }
0xa1: {  	s6 =	ssub.s32 $0x0, s21;
	[sflag:s23] =	ssyncset.done $0x0  }
0xa2: {  	[sflag:s23] =	ssyncadd.s32 s6;
	_ =	sdelay $0x1  }
0xa3: {  	s24 =	simm.s32 $0x1B8B  }
0xa4: {  	_ =	swait.ge [sflag:s24], $0x1  }
0xa5: {  	[sflag:s24] =	ssyncset.done $0x0  }
0xa6: {  	s25 =	simm.s32 $0x1B8E;
	[sflag:s24] =	ssyncadd.s32 $0xFFFFFFFF  }
0xa7: {  	s26 =	simm.s32 $execute0_lowered;
	[smem:$0x3FD2] =	sst s25  }
0xa8: {  	s6 =	sshll.u32 s26, $0x1;
	_ =	strace $0x80000046;
	[dreg:$0x1] =	wrdreg $0xFFFFFFFF  }
0xa9: {  	s28 =	simm.s32 $_size_execute0_lowered;
	s5 =	sadd.s32 s5, s6;
	[dreg:$0x0] =	wrdreg $0x0  }
0xaa: {  	s6 =	sshll.u32 s28, $0x1;
	[dreg:$0x2] =	wrdreg s5  }
0xab: {  	[dreg:$0x3] =	wrdreg s6  }
0xac: {  	[dreg:$0x4] =	wrdreg $0xC0  }
0xad: {  	_ =	task [dreg:s9], $0x5FFFF  }
0xae: {  	[dreg:$0x1] =	wrdreg $0xFFFFFFFF  }
0xaf: {  	[dreg:$0x0] =	wrdreg $0x60  }
0xb0: {  	[dreg:$0x2] =	wrdreg s19  }
0xb1: {  	[dreg:$0x3] =	wrdreg s2  }
0xb2: {  	[dreg:$0x4] =	wrdreg s4  }
0xb3: {  	[dreg:$0x5] =	wrdreg $0x9  }
0xb4: {  	_ =	task.clear_ibuf [dreg:s9], $0x6FFFF;
	_ =	strace $0x90000046  }
0xb5: {  	s29 =	simm.s32 $0x9;
	_ =	strace $0x80000048  }
0xb6: {  	_ =	swait.ge [sflag:s29], $0x1  }
0xb7: {  	[sflag:s29] =	ssyncadd.s32 $0xFFFFFFFF  }
0xb8: {  	_ =	strace $0x90000048  }
0xb9: {  	_ =	sfence  }
0xba: {  	s30 =	sld [smem:$0x0];
	_ =	sdelay $0x2  }
0xbb: {  	s31 =	sshll.u32 s1, $0xD;
	s1 =	sshrl.u32 s1, $0x2  }
0xbc: {  	s3 =	sand.u32 $0x4000, s31;
	s1 =	sadd.s32 s1, s30  }
0xbd: {  	s0 =	sor.u32 s3, s0;
	s1 =	sshll.u32 s1, $0x11  }
0xbe: {  	s0 =	sor.u32 s1, s0  }
0xbf: {  	s0 =	sadd.s32 $0x8F2B, s0  }
0xc0: {  	[sflag:s0] =	ssyncadd.remote.s32 $0x1  }
0xc1: {  	_ =	sfence.sel $0xFFFF  }
0xc2: {  	[dreg:$0x0] =	wrdreg $0xFFFFFFFF;
	(pc) =	sbr.abs _section_cstart, $3  }
0xc3: {  	[dreg:$0x1] =	wrdreg $0xFFFFFFFF  }
0xc4: {  	_ =	task.clear_ibuf [dreg:s9], $0x2FFFF;
	_ =	strace $0x9FFFFFFF  }
0xc5: {  	(tm) =	ssettm $0x7FFFFFFF  }
tec
execute0_lowered:
.L_overlay_start_1:
0x0: {  	(tag) =	ssettag $0x1  }
0x1: {  	s1 =	stileid.u32  }
0x2: {  	p0 =	sgt.u32 s1, $0x7  }
.Ltmp0:
0x3: {  	s5 =	rddreg [dreg:$0x0];
	(pc) =	sbr.rel @p0 .LBB2_5-.Ltmp0, $4  }
0x4: {  	s2 =	rddreg [dreg:$0x1]  }
0x5: {  	s4 =	rddreg [dreg:$0x2];
	s3 =	simm.s32 $0x0  }
0x6: {  	[smem:$0x7FF] =	sst s3  }
0x7: {  	s0 =	rddreg [dreg:$0x3];
	_ =	strace $0x80000047  }
0x8: {  	s6 =	srdreg.scid  }
0x9: {  	s8 =	sshll.u32 s1, $0x7;
	s6 =	sand.u32 $0x1, s6  }
0xa: {  	s11 =	simm.s32 $0x18B00;
	s7 =	smul.u32 $0xC3800, s6;
	s9 =	sshll.u32 s6, $0xD  }
0xb: {  	s12 =	simm.s32 $0x0;
	s6 =	ssub.s32 $0x2, s6;
	s9 =	sor.u32 s8, s9  }
0xc: {  	s10 =	sshrl.u32 s6, $0x1;
	s7 =	sor.u32 s8, s7;
	s31 =	sshrl.u32 s9, $0x3  }
0xd: {  	s6 =	ssub.s32 s6, s10;
	s8 =	simm.s32 $0x400;
	s9 =	simm.s32 $0x1  }
0xe: {  	s10 =	simm.s32 $0x18700;
	s7 =	sshrl.u32 s7, $0x3;
	s4 =	sadd.s32 s4, s31  }
0xf: {  	s6 =	smax.u32 s6, $0x1;
	s5 =	sadd.s32 s5, s7;
	s7 =	simm.s32 $0x80  }
.LBB2_2:
0x10: {  	[tilespmem:s3], [sflag:$0x1] =	stream.strided.gather [hbm4b:s5+s7], $0x18700, s8, s7, $0x38;
	[tilespmem:$0x18F00] =	vst v63  }
0x11: {  	_ =	swait.ge [sflag:s9], $0x18700  }
0x12: {  	[sflag:s9] =	ssyncset.done $0x0  }
0x13: {  	[sflag:s9] =	ssyncadd.s32 $0xFFFE7900  }
0x14: {  	[tilespmem:s10], [sflag:$0x1] =	stream.linear.gather [hbm4b:s2+s3], $0x400, $0x38;
	[tilespmem:$0x18F00] =	vst v63  }
0x15: {  	_ =	swait.ge [sflag:s9], $0x400  }
0x16: {  	s13 =	simm.s32 $0xFFFFFFFC;
	[sflag:s9] =	ssyncset.done $0x0  }
0x17: {  	s14 =	simm.s32 $0x18B20;
	s15 =	simm.s32 $0x18720;
	[sflag:s9] =	ssyncadd.s32 $0xFFFFFC00  }
.LBB2_3:
0x18: {  	v0 =	vld [tilespmem:s15+$0xFFFFFFE0];
	_ =	sdelay $0x7  }
0x19: {  	v0 =	vld.idx.msk [tilespmem:v0+s3+$0x0], $0xffff;
	_ =	sdelay $0x4  }
0x1a: {  	[tilespmem:s14+$0xFFFFFFE0] =	vst v0  }
0x1b: {  	v0 =	vld [tilespmem:s15+$0xFFFFFFF0];
	_ =	sdelay $0x7  }
0x1c: {  	v0 =	vld.idx.msk [tilespmem:v0+s3+$0x0], $0xffff;
	_ =	sdelay $0x4  }
0x1d: {  	[tilespmem:s14+$0xFFFFFFF0] =	vst v0  }
0x1e: {  	v0 =	vld [tilespmem:s15+$0x0];
	_ =	sdelay $0x7  }
0x1f: {  	v0 =	vld.idx.msk [tilespmem:v0+s3+$0x0], $0xffff;
	_ =	sdelay $0x4  }
0x20: {  	[tilespmem:s14+$0x0] =	vst v0  }
0x21: {  	v0 =	vld [tilespmem:s15+$0x10];
	_ =	sdelay $0x6  }
0x22: {  	s13 =	sadd.s32 $0x4, s13  }
0x23: {  	p0 =	slt.u32 s13, $0x3C;
	v0 =	vld.idx.msk [tilespmem:v0+s3+$0x0], $0xffff  }
.Ltmp1:
0x24: {  	_ = 	snop;
	(pc) =	sbr.rel @p0 .LBB2_3-.Ltmp1, $2  }
0x25: {  	_ =	sdelay $0x2  }
0x26: {  	s15 =	sadd.s32 $0x40, s15;
	[tilespmem:s14+$0x10] =	vst v0;
	s14 =	sadd.s32 $0x40, s14  }
0x27: {  	s12 =	sadd.s32 $0x1, s12  }
0x28: {  	p0 =	sne.s32 s12, s6  }
.Ltmp2:
0x29: {  	_ = 	snop;
	(pc) =	sbr.rel @p0 .LBB2_2-.Ltmp2, $4  }
0x2a: {  	[hbm4b:s4+s7] =	stream.strided.scatter [tilespmem:s11], [sflag:$0x1], $0x400, s8, s7, $0x38;
	[tilespmem:$0x18F00] =	vst v63  }
0x2b: {  	_ =	swait.ge [sflag:s9], $0x400  }
0x2c: {  	[sflag:s9] =	ssyncset.done $0x0  }
0x2d: {  	[sflag:s9] =	ssyncadd.s32 $0xFFFFFC00  }
.LBB2_5:
0x2e: {  	_ =	sfence.sel $0x180000  }
0x2f: {  	[bflag:$0x0] =	sbarrier.arrive $0xFFFF  }
0x30: {  	p0 =	sne.s32 s1, $0x0;
	_ =	strace $0x90000047  }
0x31: {  	s0 =	sadd.s32 @!p0 $0x100000, s0;
	[bflag:$0x2] =	sbarrier.arrive $0xFFFF  }
0x32: {  	[sflag:s0] =	ssyncadd.tile.s32 @!p0 $0x1;
	_ =	shalt  }
.Lfunc_end2:
_tile_overlayer_lowered:
.L_overlay_start_2:
0x33: {  	(tag) =	ssettag $0x2  }
0x34: {  	s0 =	rddreg [dreg:$0x0];
	s2 =	stileid.u32  }
0x35: {  	s1 =	rddreg [dreg:$0x1];
	p0 =	sne.s32 s2, $0x0  }
0x36: {  	s3 =	rddreg [dreg:$0x2];
	[bflag:$0x3] =	sbarrier.arrive $0xFFFF;
	s2 =	simm.s32 @!p0 $0x1C01  }
0x37: {  	[timem:s3], [sflag:s2] =	dma.local @!p0 [hbm:s0], s1  }
0x38: {  	s0 =	simm.s32 @!p0 $0x1  }
0x39: {  	_ =	swait.ge @!p0 [sflag:s0], s1  }
0x3a: {  	s1 =	ssub.s32 @!p0 $0x0, s1;
	[sflag:s0] =	ssyncset.done @!p0 $0x0  }
0x3b: {  	[sflag:s0] =	ssyncadd.s32 @!p0 s1  }
0x3c: {  	[bflag:$0x3] =	sbarrier.arrive $0xFFFF  }
0x3d: {  	_ =	shalt  }

</sc_bundles>
